<compile_context>
chip_gen: v7x
topology: tpu7x:2x2x1
jax: 0.10.2.dev20260603
libtpu: 0.0.44.dev20260713+nightly
codegen_flags: <defaults>
</compile_context>

<pallas_src>
import jax
import jax.numpy as jnp
from jax.experimental import pallas as pl
from jax.experimental.pallas import tpu as pltpu

WORKER_NUM = 1000
TASK_NUM = 20000
ABILITY_NUM = 128
EDGE_TYPE = 2
COLS = TASK_NUM * EDGE_TYPE

ROW_BLOCK = 40


def _decoder_block(wf_ref, w_ref, b_ref, tau_ref, out_ref):
    x = jnp.dot(wf_ref[...], w_ref[...],
                preferred_element_type=jnp.float32) + b_ref[0, 0]
    p1 = jax.nn.sigmoid(x)
    p2 = 1.0 - p1
    lp1 = jnp.maximum(jnp.log(p1), -1e30)
    lp2 = jnp.maximum(jnp.log(p2), -1e30)
    a = lp1 - lp2
    out_ref[...] = jnp.exp(lp2 + tau_ref[...] * a)


@jax.jit
def kernel(inputs, W, b, P0):
    wf = inputs[:WORKER_NUM]
    tau = inputs[WORKER_NUM:, :EDGE_TYPE].reshape(1, COLS)
    b2 = b.reshape(1, 1)
    grid = (WORKER_NUM // ROW_BLOCK,)
    out = pl.pallas_call(
        _decoder_block,
        grid=grid,
        in_specs=[
            pl.BlockSpec((ROW_BLOCK, ABILITY_NUM), lambda i: (i, 0)),
            pl.BlockSpec((ABILITY_NUM, 1), lambda i: (0, 0)),
            pl.BlockSpec((1, 1), lambda i: (0, 0)),
            pl.BlockSpec((1, COLS), lambda i: (0, 0)),
        ],
        out_specs=pl.BlockSpec((ROW_BLOCK, COLS), lambda i: (i, 0)),
        out_shape=jax.ShapeDtypeStruct((WORKER_NUM, COLS), jnp.float32),
        compiler_params=pltpu.CompilerParams(
            vmem_limit_bytes=100 * 1024 * 1024),
    )(wf, W, b2, tau)
    return out.reshape(WORKER_NUM, TASK_NUM, EDGE_TYPE)

# --- scband reference (transcript-rebuilt; emitter-appended) ---
"""Pipeline reference for scband-decoder-9139690405992 (READ-ONLY COPY).

The authoritative reference and input builder live on the scoring server;
editing this copy changes nothing except your own understanding.
"""

import jax, jax.numpy as jnp
import numpy as np

WORKER_NUM = 1000
TASK_NUM = 20000
ABILITY_NUM = 128
EDGE_TYPE = 2


def setup_inputs(seed: int = 0) -> dict:
    key = jax.random.key(seed)
    k1, k2, k3, k4 = jax.random.split(key, 4)
    # forward input: stacked worker features then task features
    inputs = jax.random.uniform(k1, (WORKER_NUM + TASK_NUM, ABILITY_NUM), dtype=jnp.float32)
    # learned params per __init__: W [ability_num, 1], b [1]
    W = jax.random.normal(k2, (ABILITY_NUM, 1), dtype=jnp.float32)
    b = jax.random.normal(k3, (1,), dtype=jnp.float32)
    # self.P buffer: random normal [input_dim[0], input_dim[1], 2]
    P0 = jax.random.normal(k4, (WORKER_NUM, TASK_NUM, 2), dtype=jnp.float32)
    return {"inputs": inputs, "W": W, "b": b, "P0": P0}


def reference(inputs, W, b, P0):
    # worker_feature = inputs[0:worker_num, 0:ability_num]
    worker_feature = inputs[:WORKER_NUM, :ABILITY_NUM]
    # task_feature = inputs[worker_num:, 0:edge_type]  (tau probabilities per task/label)
    task_feature = inputs[WORKER_NUM:WORKER_NUM + TASK_NUM, :EDGE_TYPE]
    # prob_part1 = sigmoid(worker_feature . W + b)  -> per-worker scalar ability prob
    prob_part1 = jax.nn.sigmoid(worker_feature @ W + b)  # [worker_num, 1]
    # prob_part2 = (1 - prob_part1) / (edge_type - 1)
    prob_part2 = (1.0 - prob_part1) / float(EDGE_TYPE - 1)  # [worker_num, 1]
    tau = task_feature[None, :, :]            # [1, task_num, edge_type]
    p1 = prob_part1[:, None, :]               # [worker_num, 1, 1]
    p2 = prob_part2[:, None, :]               # [worker_num, 1, 1]
    # P[i, j, l] = prob_part1^tau * prob_part2^(1 - tau)  (vectorized triple while_loop)
    vals = jnp.power(p1, tau) * jnp.power(p2, 1.0 - tau)  # [worker_num, task_num, edge_type]
    # scatter-overwrite into the P memory buffer
    P = P0.at[:WORKER_NUM, :TASK_NUM, :EDGE_TYPE].set(vals)
    return P

if __name__ == "__main__":
    import jax
    _d = setup_inputs()
    print(jax.jit(kernel)(*tuple(_d.values())))

</pallas_src>

<mosaic_0001>
module attributes {stable_mosaic.version = 14 : i64} {
  func.func @_decoder_block(%arg0: i32, %arg1: memref<40x128xf32, #tpu.memory_space<vmem>>, %arg2: memref<128x1xf32, #tpu.memory_space<vmem>>, %arg3: memref<1x1xf32, #tpu.memory_space<vmem>>, %arg4: memref<1x40000xf32, #tpu.memory_space<vmem>>, %arg5: memref<40x40000xf32, #tpu.memory_space<vmem>>) attributes {dimension_semantics = [#tpu.dimension_semantics<arbitrary>], iteration_bounds = array<i64: 25>, scalar_prefetch = 0 : i64, scratch_operands = 0 : i64, tpu.core_type = #tpu.core_type<tc>, window_params = [{transform_indices = @transform_0, window_bounds = array<i64: 40, 128>}, {pipeline_mode = #tpu.pipeline_mode<synchronous>, transform_indices = @transform_1, window_bounds = array<i64: 128, 1>}, {pipeline_mode = #tpu.pipeline_mode<synchronous>, transform_indices = @transform_2, window_bounds = array<i64: 1, 1>}, {pipeline_mode = #tpu.pipeline_mode<synchronous>, transform_indices = @transform_3, window_bounds = array<i64: 1, 40000>}, {transform_indices = @transform_4, window_bounds = array<i64: 40, 40000>}]} {
    %get3A = arith.constant 0 : index
    %get3A_0 = arith.constant 0 : index
    %get3A_1 = vector.load %arg1[%get3A, %get3A_0] : memref<40x128xf32, #tpu.memory_space<vmem>>, vector<40x128xf32>
    %get3A_2 = arith.constant 0 : index
    %get3A_3 = arith.constant 0 : index
    %get3A_4 = vector.load %arg2[%get3A_2, %get3A_3] : memref<128x1xf32, #tpu.memory_space<vmem>>, vector<128x1xf32>
    %dot_general3A = arith.constant dense<0.000000e+00> : vector<40x1xf32>
    %dot_general3A_5 = tpu.matmul %get3A_1, %get3A_4, %dot_general3A {dimension_numbers = #tpu.dot_dimension_numbers<[1], [0], [0], [1], [0, 0, 1, 1], [], []>, transpose_lhs_hint = false} : vector<40x128xf32>, vector<128x1xf32>, vector<40x1xf32> -> vector<40x1xf32>
    %get3A_6 = arith.constant 0 : index
    %get3A_7 = arith.constant 0 : index
    %get3A_8 = vector.load %arg3[%get3A_6, %get3A_7] : memref<1x1xf32, #tpu.memory_space<vmem>>, vector<1x1xf32>
    %get3A_9 = vector.extract %get3A_8[0, 0] : f32 from vector<1x1xf32>
    %add3A = vector.broadcast %get3A_9 : f32 to vector<40x1xf32>
    %add3A_10 = arith.addf %dot_general3A_5, %add3A : vector<40x1xf32>
    %logistic3A = arith.negf %add3A_10 : vector<40x1xf32>
    %logistic3A_11 = math.exp %logistic3A : vector<40x1xf32>
    %logistic3A_12 = arith.constant 1.000000e+00 : f32
    %logistic3A_13 = vector.broadcast %logistic3A_12 : f32 to vector<40x1xf32>
    %logistic3A_14 = arith.addf %logistic3A_13, %logistic3A_11 : vector<40x1xf32>
    %logistic3A_15 = arith.divf %logistic3A_13, %logistic3A_14 : vector<40x1xf32>
    %sub3A = arith.constant 1.000000e+00 : f32
    %sub3A_16 = vector.broadcast %sub3A : f32 to vector<40x1xf32>
    %sub3A_17 = arith.subf %sub3A_16, %logistic3A_15 : vector<40x1xf32>
    %log3A = math.log %logistic3A_15 : vector<40x1xf32>
    %max3A = arith.constant -1.000000e+30 : f32
    %max3A_18 = vector.broadcast %max3A : f32 to vector<40x1xf32>
    %max3A_19 = arith.maximumf %log3A, %max3A_18 : vector<40x1xf32>
    %log3A_20 = math.log %sub3A_17 : vector<40x1xf32>
    %max3A_21 = arith.constant -1.000000e+30 : f32
    %max3A_22 = vector.broadcast %max3A_21 : f32 to vector<40x1xf32>
    %max3A_23 = arith.maximumf %log3A_20, %max3A_22 : vector<40x1xf32>
    %sub3A_24 = arith.subf %max3A_19, %max3A_23 : vector<40x1xf32>
    %get3A_25 = arith.constant 0 : index
    %get3A_26 = arith.constant 0 : index
    %get3A_27 = vector.load %arg4[%get3A_25, %get3A_26] : memref<1x40000xf32, #tpu.memory_space<vmem>>, vector<1x40000xf32>
    %mul3A = vector.broadcast %get3A_27 : vector<1x40000xf32> to vector<40x40000xf32>
    %mul3A_28 = vector.broadcast %sub3A_24 : vector<40x1xf32> to vector<40x40000xf32>
    %mul3A_29 = arith.mulf %mul3A, %mul3A_28 : vector<40x40000xf32>
    %add3A_30 = vector.broadcast %max3A_23 : vector<40x1xf32> to vector<40x40000xf32>
    %add3A_31 = arith.addf %add3A_30, %mul3A_29 : vector<40x40000xf32>
    %exp3A = math.exp %add3A_31 : vector<40x40000xf32>
    %swap3A = arith.constant 0 : index
    %swap3A_32 = arith.constant 0 : index
    %swap3A_33 = vector.load %arg5[%swap3A, %swap3A_32] : memref<40x40000xf32, #tpu.memory_space<vmem>>, vector<40x40000xf32>
    tpu.vector_store %arg5[%swap3A, %swap3A_32], %exp3A {strides = array<i32>} : memref<40x40000xf32, #tpu.memory_space<vmem>>, vector<40x40000xf32>,
    return
  }
  func.func @transform_0(%arg0: i32) -> (i32, i32) {
    %c0_i32 = arith.constant 0 : i32
    %c0_i32_0 = arith.constant 0 : i32
    return %arg0, %c0_i32 : i32, i32
  }
  func.func @transform_1(%arg0: i32) -> (i32, i32) {
    %c0_i32 = arith.constant 0 : i32
    %c0_i32_0 = arith.constant 0 : i32
    %c0_i32_1 = arith.constant 0 : i32
    return %c0_i32, %c0_i32_0 : i32, i32
  }
  func.func @transform_2(%arg0: i32) -> (i32, i32) {
    %c0_i32 = arith.constant 0 : i32
    %c0_i32_0 = arith.constant 0 : i32
    %c0_i32_1 = arith.constant 0 : i32
    return %c0_i32, %c0_i32_0 : i32, i32
  }
  func.func @transform_3(%arg0: i32) -> (i32, i32) {
    %c0_i32 = arith.constant 0 : i32
    %c0_i32_0 = arith.constant 0 : i32
    %c0_i32_1 = arith.constant 0 : i32
    return %c0_i32, %c0_i32_0 : i32, i32
  }
  func.func @transform_4(%arg0: i32) -> (i32, i32) {
    %c0_i32 = arith.constant 0 : i32
    %c0_i32_0 = arith.constant 0 : i32
    return %arg0, %c0_i32 : i32, i32
  }
}

</mosaic_0001>

<sc_bundles>
// kernel: sparse-core-data-format-call.cloned.1.call-start
scs
called_computation_lowered:
.L_overlay_start_0:
0x0: {  	s2 =	sld [smem:$0x3FD9]  }
0x1: {  	s3 =	sld [smem:$0x3FFE];
	_ =	sdelay $0x1  }
0x2: {  	s1 =	srdreg.scid  }
0x3: {  	s0 =	sand.u32 $0x1, s1  }
0x4: {  	s18 =	sshll.u32 s0, $0xA;
	s2 =	sadd.s32 s3, s2  }
0x5: {  	s2 =	sadd.s32 s2, s18  }
0x6: {  	[smem:$0x3FC5] =	sst s2  }
0x7: {  	_ = 	snop  }
0x8: {  	s2 =	sld [smem:$0x3FD0];
	(tm) =	ssettm $0x1  }
0x9: {  	s19 =	sld [smem:$0x3FFB];
	_ =	sdelay $0x3  }
0xa: {  	_ =	strace s19  }
0xb: {  	s3 =	sld [smem:$0x3FFC];
	_ =	sdelay $0x3  }
0xc: {  	_ =	strace s3  }
0xd: {  	s3 =	sld [smem:$0x3FFD];
	_ =	sdelay $0x3  }
0xe: {  	_ =	strace s3  }
0xf: {  	_ =	strace $0x8FFFFFFF  }
0x10: {  	s20 =	sld [smem:$0x3FDB];
	_ =	sdelay $0x1  }
0x11: {  	s4 =	simm.s32 $_scs_section_size  }
0x12: {  	s5 =	simm.s32 $_size__tile_overlayer_lowered;
	s6 =	simm.s32 $_tile_overlayer_lowered  }
0x13: {  	s23 =	simm.s32 $0x1BFF;
	s22 =	sshll.u32 s6, $0x1;
	s3 =	sadd.s32 s4, s20  }
0x14: {  	s7 =	simm.s32 $0x0;
	s21 =	sshll.u32 s5, $0x1;
	s5 =	sadd.s32 s22, s3  }
0x15: {  	[timem:s7], [sflag:s23] =	dma.local [hbm:s5], s21  }
0x16: {  	_ =	swait.ge [sflag:s23], s21  }
0x17: {  	s4 =	ssub.s32 $0x0, s21;
	[sflag:s23] =	ssyncset.done $0x0  }
0x18: {  	[sflag:s23] =	ssyncadd.s32 s4;
	_ =	sdelay $0x1  }
0x19: {  	s24 =	simm.s32 $0x1B8B  }
0x1a: {  	_ =	swait.ge [sflag:s24], $0x1  }
0x1b: {  	[sflag:s24] =	ssyncset.done $0x0  }
0x1c: {  	s26 =	simm.s32 $0x1B8E;
	s25 =	sld [smem:$0x3FFE];
	[sflag:s24] =	ssyncadd.s32 $0xFFFFFFFF  }
0x1d: {  	s27 =	simm.s32 $execute0_lowered;
	[smem:$0x3FD2] =	sst s26  }
0x1e: {  	s5 =	sshll.u32 s27, $0x1;
	_ =	strace $0x80000046;
	[dreg:$0x1] =	wrdreg $0xFFFFFFFF  }
0x1f: {  	s28 =	simm.s32 $_size_execute0_lowered;
	s3 =	sadd.s32 s3, s5;
	[dreg:$0x0] =	wrdreg $0x0  }
0x20: {  	s5 =	sshll.u32 s28, $0x1;
	[dreg:$0x2] =	wrdreg s3  }
0x21: {  	[dreg:$0x3] =	wrdreg s5  }
0x22: {  	[dreg:$0x4] =	wrdreg $0xC0  }
0x23: {  	_ =	task [dreg:s7], $0x5FFFF  }
0x24: {  	[dreg:$0x1] =	wrdreg $0xFFFFFFFF  }
0x25: {  	[dreg:$0x0] =	wrdreg $0x60  }
0x26: {  	[dreg:$0x2] =	wrdreg s25  }
0x27: {  	[dreg:$0x3] =	wrdreg s2  }
0x28: {  	[dreg:$0x4] =	wrdreg $0x9  }
0x29: {  	_ =	task.clear_ibuf [dreg:s7], $0x5FFFF;
	_ =	strace $0x90000046  }
0x2a: {  	s29 =	simm.s32 $0x9;
	_ =	strace $0x80000048  }
0x2b: {  	_ =	swait.ge [sflag:s29], $0x1  }
0x2c: {  	[sflag:s29] =	ssyncadd.s32 $0xFFFFFFFF  }
0x2d: {  	_ =	strace $0x90000048  }
0x2e: {  	_ =	sfence  }
0x2f: {  	s30 =	sld [smem:$0x0];
	_ =	sdelay $0x2  }
0x30: {  	s31 =	sshll.u32 s1, $0xD;
	s1 =	sshrl.u32 s1, $0x2  }
0x31: {  	s3 =	sand.u32 $0x4000, s31;
	s1 =	sadd.s32 s1, s30  }
0x32: {  	s0 =	sor.u32 s3, s0;
	s1 =	sshll.u32 s1, $0x11  }
0x33: {  	s0 =	sor.u32 s1, s0  }
0x34: {  	s0 =	sadd.s32 $0x8F2B, s0  }
0x35: {  	[sflag:s0] =	ssyncadd.remote.s32 $0x1  }
0x36: {  	_ =	sfence.sel $0xFFFF  }
0x37: {  	[dreg:$0x0] =	wrdreg $0xFFFFFFFF;
	(pc) =	sbr.abs _section_cstart, $3  }
0x38: {  	[dreg:$0x1] =	wrdreg $0xFFFFFFFF  }
0x39: {  	_ =	task.clear_ibuf [dreg:s7], $0x2FFFF;
	_ =	strace $0x9FFFFFFF  }
0x3a: {  	(tm) =	ssettm $0x7FFFFFFF  }
0x3b: {  	_ =	shalt  }
tec
execute0_lowered:
.L_overlay_start_1:
0x0: {  	(tag) =	ssettag $0x1  }
0x1: {  	s3 =	rddreg [dreg:$0x0]  }
0x2: {  	s2 =	rddreg [dreg:$0x1];
	s5 =	srdreg.scid  }
0x3: {  	s0 =	rddreg [dreg:$0x2];
	s1 =	stileid.u32  }
0x4: {  	_ =	strace $0x80000047;
	s30 =	simm.s32 $0x2;
	s14 =	simm.s32 $0x0  }
0x5: {  	p0 =	por $0x0, $0x0;
	s16 =	simm.s32 $0x0;
	s17 =	simm.s32 $0x0  }
0x6: {  	s12 =	simm.s32 $0x0;
	s15 =	simm.s32 $0x0;
	s4 =	sshll.u32 s5, $0x7  }
0x7: {  	s6 =	sshll.u32 s1, $0x7;
	s26 =	sshrl.u32 s1, $0x1;
	s27 =	sshll.u32 s1, $0x5  }
0x8: {  	s5 =	sshll.u32 s5, $0x9;
	s11 =	sshll.u32 s1, $0x3;
	s4 =	sand.u32 $0x80, s4  }
0x9: {  	s8 =	sor.u32 s27, s5;
	s7 =	sadd.s32 s4, s3;
	s3 =	sand.u32 $0x80, s6  }
0xa: {  	s5 =	simm.s32 $0x1;
	s4 =	sand.u32 $0x1, s26;
	s28 =	ssub.s32 $0x4E00, s3  }
0xb: {  	s29 =	sand.u32 $0x70, s11;
	s9 =	ssub.s32 $0x2, s4;
	s6 =	sshrl.u32 s28, $0x8  }
.Ltmp0:
0xc: {  	s10 =	sshrl.u32 s9, $0x1;
	s9 =	sand.u32 $0x1, s9;
	(pc) =	sbr.rel .LBB1_1-.Ltmp0, $4  }
0xd: {  	s11 =	simm.s32 $0x0;
	s6 =	sadd.s32 $0x1, s6;
	s9 =	sadd.s32 s9, s10  }
0xe: {  	[sflag:s5] =	ssyncpa.u1 $0x0;
	s31 =	sadd.s32 s29, s7;
	s6 =	smul.u32 s9, s6  }
0xf: {  	s7 =	sand.u32 $0x380, s8;
	[sflag:s30] =	ssyncpa.u1 $0x0;
	s13 =	smov.u32 s3  }
0x10: {  	s8 =	sadd.s32 $0x4E2400, s31;
	s10 =	simm.s32 $0x9D00;
	s9 =	sadd.s32 $0x1, s6  }
.LBB1_12:
0x11: {  	s20 =	sshll.u32 s12, $0x1  }
0x12: {  	s17 =	sshll.u32 s17, $0x7;
	p1 =	sgt.s32 s12, $0x4E00;
	s21 =	smov.u32 s12  }
0x13: {  	s22 =	sand.u32 $0x7F, s12;
	s19 =	smul.u32 $0x4080, s19;
	s20 =	sand.u32 $0xFFFFFF00, s20  }
0x14: {  	s28 =	smul.u32 $0x13A0, s11;
	s21 =	simm.s32 @!p1 $0x4E00;
	s17 =	sor.u32 s17, s20  }
0x15: {  	p1 =	sgt.s32 s11, $0x368;
	s18 =	sadd.s32 s18, s21;
	s20 =	sor.u32 s22, s17  }
0x16: {  	s22 =	smov.u32 s11;
	s23 =	sadd.s32 $0xFFFFB200, s18;
	s27 =	smulhi.u32 $0x342DA7F3, s20  }
0x17: {  	s17 =	smulhi.u32 $0x342DA7F3, s17;
	s18 =	ssub.s32 $0x4E80, s18;
	s22 =	simm.s32 @!p1 $0x368  }
0x18: {  	p2 =	sgt.s32 s23, $0x7F;
	s22 =	ssub.s32 $0x3E8, s22;
	s21 =	sshrl.u32 s27, $0xC  }
0x19: {  	s18 =	simm.s32 @p2 $0x0;
	s17 =	sshrl.u32 s17, $0xC;
	s21 =	smul.u32 $0x4E80, s21  }
0x1a: {  	s19 =	sor.u32 $0x8000, s19;
	s18 =	smul.u32 s22, s18;
	s17 =	sand.u32 $0x1, s17  }
0x1b: {  	p1 =	seq.s32 s17, $0x1;
	s17 =	simm.s32 $0x9D0;
	s20 =	ssub.s32 s20, s21  }
0x1c: {  	s17 =	simm.s32 @!p1 $0x0;
	s21 =	sadd.s32 s2, s28;
	s29 =	sand.u32 $0x7, s20  }
0x1d: {  	s20 =	sshrl.u32 s20, $0x3;
	s17 =	sadd.s32 s17, s21;
	s30 =	sshll.u32 s29, $0x12  }
0x1e: {  	s18 =	sand.u32 $0x3FFFFFF8, s18;
	s17 =	sadd.s32 s20, s17;
	s31 =	sor.u32 $0x80, s30  }
0x1f: {  	[hbm4b:s17+s31] =	stream.strided.scatter [tilespmem:s19], [sflag:$0x2], s18, s10, s31, $0x20;
	[tilespmem:$0x10100] =	vst v63  }
.LBB1_13:
0x20: {  	p1 =	slt.u32 s15, $0x2  }
0x21: {  	p2 =	sgt.s32 @!p1 s16, $0x4E00  }
0x22: {  	s17 =	smov.u32 s16;
	s18 =	sshra.s32 @!p1 s16, $0x1F;
	p2 =	por !p2, p1  }
0x23: {  	s16 =	sand.u32 @!p1 s18, s16;
	s17 =	simm.s32 @p2 $0x4E00  }
0x24: {  	s16 =	ssub.s32 @!p1 s17, s16  }
0x25: {  	s20 =	sadd.s32 $0x1, s15;
	p2 =	sgt.s32 @!p1 s14, $0x368;
	s17 =	sadd.s32 @!p1 $0xFFFFB200, s16  }
0x26: {  	s18 =	sadd.s32 $0x100, s13;
	p2 =	por !p2, p1;
	p3 =	sgt.s32 @!p1 s17, $0x7F  }
0x27: {  	s14 =	simm.s32 @p2 $0x368;
	s16 =	ssub.s32 @!p1 $0x4E80, s16;
	p2 =	por !p3, p1  }
0x28: {  	s14 =	ssub.s32 @!p1 $0x3E8, s14;
	s16 =	simm.s32 @!p2 $0x0;
	p2 =	sgt.s32 s18, $0x4E1F  }
0x29: {  	s14 =	smul.u32 @!p1 s14, s16;
	s18 =	smov.u32 @p2 s3;
	p2 =	sne.s32 s15, s9  }
.Ltmp1:
0x2a: {  	p0 =	por !p0, !p0;
	s17 =	simm.s32 @!p1 $0x2;
	(pc) =	sbr.rel @!p2 .LBB1_14-.Ltmp1, $4  }
0x2b: {  	s16 =	smov.u32 s12;
	s12 =	smov.u32 s13;
	s14 =	sand.u32 @!p1 $0x3FFFFFFF, s14  }
0x2c: {  	s15 =	smov.u32 s20;
	s13 =	smov.u32 s18;
	_ =	swait.ge @!p1 [sflag:s17], s14  }
0x2d: {  	s19 =	ssub.s32 @!p1 $0x0, s14;
	s14 =	smov.u32 s11;
	[sflag:s17] =	ssyncset.done @!p1 $0x0  }
0x2e: {  	s11 =	smov.u32 s7;
	[sflag:s17] =	ssyncadd.s32 @!p1 s19;
	s17 =	smov.u32 s4  }
.LBB1_1:
0x2f: {  	p1 =	sge.u32 s15, s6  }
0x30: {  	p2 =	sgt.s32 @!p1 s13, $0x4DA0  }
0x31: {  	s18 =	smov.u32 s13;
	s19 =	sshra.s32 @!p1 s13, $0x1F;
	p2 =	por !p2, p1  }
0x32: {  	s19 =	sand.u32 @!p1 s19, s13;
	s18 =	simm.s32 @p2 $0x4DA0  }
0x33: {  	s18 =	ssub.s32 @!p1 s18, s19  }
0x34: {  	s31 =	sadd.s32 $0xFFFFFFFF, s15;
	s20 =	sxor.u32 @!p1 $0xFFFFFFFF, s15;
	s18 =	sadd.s32 @!p1 $0xFFFFB260, s18  }
0x35: {  	s21 =	simm.s32 @!p1 $0x80;
	s22 =	simm.s32 @!p1 $0x800;
	s19 =	sshll.u32 @!p1 s18, $0x7  }
0x36: {  	p2 =	sgt.s32 @!p1 s18, $0x7F;
	s18 =	ssub.s32 @!p1 $0x4000, s19;
	s19 =	sshll.u32 @!p1 s20, $0xE  }
0x37: {  	p2 =	por !p2, p1;
	s20 =	sshll.u32 @!p1 s13, $0x8;
	s18 =	sand.u32 @!p1 $0x3FFFFF80, s18  }
0x38: {  	s19 =	sand.u32 @!p1 $0x4000, s19;
	s20 =	sadd.s32 @!p1 s20, s8;
	s18 =	simm.s32 @!p2 $0x0  }
0x39: {  	[tilespmem:s19], [sflag:$0x1] =	stream.strided.gather @!p1 [hbm4b:s20+s21], s18, s22, s21, $0x38;
	[tilespmem:$0x10100] =	vst v63  }
0x3a: {  	p1 =	sge.u32 s31, s6  }
.Ltmp2:
0x3b: {  	_ = 	snop;
	(pc) =	sbr.rel @p1 .LBB1_13-.Ltmp2, $1  }
0x3c: {  	_ =	sdelay $0x3  }
0x3d: {  	s18 =	ssub.s32 $0x0, s12  }
0x3e: {  	s19 =	sshra.s32 s12, $0x1F;
	p1 =	sgt.s32 s12, $0x4DA0;
	s20 =	smov.u32 s12  }
0x3f: {  	s18 =	sand.u32 s18, s19;
	s20 =	simm.s32 @!p1 $0x4DA0  }
0x40: {  	s19 =	sadd.s32 s18, s20  }
0x41: {  	s21 =	sadd.s32 $0x80, s12;
	s19 =	sadd.s32 $0xFFFFB260, s19  }
0x42: {  	p2 =	slt.s32 s21, $0x4E20;
	s30 =	sshll.u32 s19, $0x7  }
0x43: {  	s21 =	simm.s32 @!p2 $0x4E20;
	s20 =	ssub.s32 $0x4000, s30  }
0x44: {  	p1 =	sgt.s32 s19, $0x7F;
	s19 =	sand.u32 $0x3FFFFF80, s20;
	s20 =	ssub.s32 s21, s12  }
0x45: {  	s19 =	simm.s32 @p1 $0x0;
	p1 =	slt.s32 s20, $0x1  }
.Ltmp3:
0x46: {  	_ = 	snop;
	(pc) =	sbr.rel @p1 .LBB1_12-.Ltmp3, $4  }
0x47: {  	_ = 	snop  }
0x48: {  	_ =	swait.ge [sflag:s5], s19  }
0x49: {  	s31 =	ssub.s32 $0x0, s19;
	[sflag:s5] =	ssyncset.done $0x0  }
0x4a: {  	s19 =	sand.u32 $0x1, s15;
	[sflag:s5] =	ssyncadd.s32 s31  }
0x4b: {  	p1 =	slt.s32 s11, $0x368;
	s21 =	smov.u32 s11  }
0x4c: {  	s21 =	simm.s32 @!p1 $0x368  }
0x4d: {  	s22 =	simm.s32 $0x1;
	s27 =	ssub.s32 s21, s11  }
0x4e: {  	s22 =	simm.s32 @!p0 $0x0;
	s23 =	sadd.s32 $0x8F, s27  }
0x4f: {  	s24 =	smul.u32 $0x10200, s22;
	s31 =	sshrl.u32 s23, $0x8  }
0x50: {  	s25 =	smul.u32 $0x20400, s31  }
.Ltmp4:
0x51: {  	_ = 	snop;
	(pc) =	sbr.rel .LBB1_4-.Ltmp4, $4  }
0x52: {  	s26 =	simm.s32 $0x0;
	p1 =	slt.s32 s27, $0x71;
	s27 =	simm.s32 $0x0  }
0x53: {  	s21 =	sand.u32 $0xFFFFFFF0, s23;
	s22 =	sand.u32 $0xFFFFFF00, s23;
	s25 =	sadd.s32 s24, s25  }
0x54: {  	s23 =	sshll.u32 s19, $0xE;
	s24 =	sshrl.u32 s24, $0x2;
	s25 =	sshra.s32 s25, $0x2  }
0x55: {  	p2 =	sge.s32 s22, s21;
	s24 =	sor.u32 $0x8000, s24;
	s25 =	sadd.s32 $0x8000, s25  }
.LBB1_11:
0x56: {  	s27 =	sadd.s32 $0x1, s27  }
0x57: {  	p3 =	sne.s32 s27, s20  }
.Ltmp5:
0x58: {  	_ = 	snop;
	(pc) =	sbr.rel @!p3 .LBB1_12-.Ltmp5, $2  }
0x59: {  	_ =	sdelay $0x2  }
0x5a: {  	s26 =	sadd.s32 $0x1, s26  }
.LBB1_4:
.Ltmp6:
0x5b: {  	(pc) =	sbr.rel @p1 .LBB1_8-.Ltmp6, $4  }
0x5c: {  	_ = 	snop  }
0x5d: {  	s28 =	sshll.u32 s27, $0x9  }
0x5e: {  	s28 =	sshra.s32 s28, $0x2  }
0x5f: {  	s29 =	sand.u32 $0x7F, s26;
	s28 =	sadd.s32 s28, s23  }
0x60: {  	v5 =	vld [tilespmem:s28+$0x70]  }
0x61: {  	v6 =	vld [tilespmem:s28+$0x0]  }
0x62: {  	v7 =	vld [tilespmem:s28+$0x10]  }
0x63: {  	v1 =	vld [tilespmem:s28+$0x20]  }
0x64: {  	s30 =	sadd.s32 s29, s24;
	v0 =	vld [tilespmem:s28+$0x30]  }
0x65: {  	v2 =	vld [tilespmem:s28+$0x40];
	[tilespmem:s30+$0x78F0 ss:$0x81] =	vst.msk $0xffff, v5  }
0x66: {  	v3 =	vld [tilespmem:s28+$0x50];
	[tilespmem:s30+$0x0 ss:$0x81] =	vst.msk $0xffff, v6  }
0x67: {  	v4 =	vld [tilespmem:s28+$0x60];
	[tilespmem:s30+$0x810 ss:$0x81] =	vst.msk $0xffff, v7  }
0x68: {  	[tilespmem:s30+$0x1020 ss:$0x81] =	vst.msk $0xffff, v1  }
0x69: {  	[tilespmem:s30+$0x1830 ss:$0x81] =	vst.msk $0xffff, v0  }
0x6a: {  	p3 =	sgt.s32 s22, $0x100;
	[tilespmem:s30+$0x2040 ss:$0x81] =	vst.msk $0xffff, v2  }
.Ltmp7:
0x6b: {  	[tilespmem:s30+$0x2850 ss:$0x81] =	vst.msk $0xffff, v3;
	(pc) =	sbr.rel @!p3 .LBB1_7-.Ltmp7, $4  }
0x6c: {  	[tilespmem:s30+$0x3060 ss:$0x81] =	vst.msk $0xffff, v4  }
0x6d: {  	[tilespmem:s30+$0x3870 ss:$0x81] =	vst.msk $0xffff, v5  }
0x6e: {  	[tilespmem:s30+$0x4080 ss:$0x81] =	vst.msk $0xffff, v6  }
0x6f: {  	s31 =	simm.s32 $0x100;
	[tilespmem:s30+$0x4890 ss:$0x81] =	vst.msk $0xffff, v7  }
.LBB1_6:
0x70: {  	v5 =	vld [tilespmem:s28+$0x70];
	s31 =	sadd.s32 $0x100, s31;
	[tilespmem:s30+$0x50A0 ss:$0x81] =	vst.msk $0xffff, v1  }
0x71: {  	v6 =	vld [tilespmem:s28+$0x0];
	p3 =	slt.s32 s31, s22;
	[tilespmem:s30+$0x58B0 ss:$0x81] =	vst.msk $0xffff, v0  }
0x72: {  	v7 =	vld [tilespmem:s28+$0x10];
	[tilespmem:s30+$0x60C0 ss:$0x81] =	vst.msk $0xffff, v2  }
0x73: {  	v1 =	vld [tilespmem:s28+$0x20];
	[tilespmem:s30+$0x68D0 ss:$0x81] =	vst.msk $0xffff, v3  }
0x74: {  	v0 =	vld [tilespmem:s28+$0x30];
	[tilespmem:s30+$0x70E0 ss:$0x81] =	vst.msk $0xffff, v4;
	s30 =	sadd.s32 $0x8100, s30  }
0x75: {  	v2 =	vld [tilespmem:s28+$0x40];
	[tilespmem:s30+$0x78F0 ss:$0x81] =	vst.msk $0xffff, v5  }
0x76: {  	[tilespmem:s30+$0x0 ss:$0x81] =	vst.msk $0xffff, v6;
	v3 =	vld [tilespmem:s28+$0x50]  }
0x77: {  	[tilespmem:s30+$0x810 ss:$0x81] =	vst.msk $0xffff, v7;
	v4 =	vld [tilespmem:s28+$0x60]  }
0x78: {  	[tilespmem:s30+$0x1020 ss:$0x81] =	vst.msk $0xffff, v1  }
0x79: {  	[tilespmem:s30+$0x1830 ss:$0x81] =	vst.msk $0xffff, v0  }
0x7a: {  	[tilespmem:s30+$0x2040 ss:$0x81] =	vst.msk $0xffff, v2  }
.Ltmp8:
0x7b: {  	[tilespmem:s30+$0x2850 ss:$0x81] =	vst.msk $0xffff, v3;
	(pc) =	sbr.rel @p3 .LBB1_6-.Ltmp8, $4  }
0x7c: {  	[tilespmem:s30+$0x3060 ss:$0x81] =	vst.msk $0xffff, v4  }
0x7d: {  	[tilespmem:s30+$0x3870 ss:$0x81] =	vst.msk $0xffff, v5  }
0x7e: {  	[tilespmem:s30+$0x4080 ss:$0x81] =	vst.msk $0xffff, v6  }
0x7f: {  	[tilespmem:s30+$0x4890 ss:$0x81] =	vst.msk $0xffff, v7  }
.LBB1_7:
0x80: {  	[tilespmem:s30+$0x50A0 ss:$0x81] =	vst.msk $0xffff, v1  }
0x81: {  	[tilespmem:s30+$0x58B0 ss:$0x81] =	vst.msk $0xffff, v0  }
0x82: {  	[tilespmem:s30+$0x60C0 ss:$0x81] =	vst.msk $0xffff, v2  }
0x83: {  	[tilespmem:s30+$0x68D0 ss:$0x81] =	vst.msk $0xffff, v3  }
0x84: {  	[tilespmem:s30+$0x70E0 ss:$0x81] =	vst.msk $0xffff, v4  }
.LBB1_8:
.Ltmp9:
0x85: {  	(pc) =	sbr.rel @p2 .LBB1_11-.Ltmp9, $1  }
0x86: {  	_ =	sdelay $0x3  }
0x87: {  	v0 =	vmov s28;
	_ =	sdelay $0x2  }
0x88: {  	s29 =	sadd.s32 s29, s25;
	s28 =	smov.u32 s22  }
.LBB1_10:
0x89: {  	s30 =	sand.u32 $0x70, s28;
	s28 =	sadd.s32 $0x10, s28  }
0x8a: {  	v1 =	vld.idx.msk [tilespmem:v0+s30+$0x0 ss:$0x1], $0xffff;
	p3 =	slt.s32 s28, s21  }
.Ltmp10:
0x8b: {  	_ = 	snop;
	(pc) =	sbr.rel @p3 .LBB1_10-.Ltmp10, $2  }
0x8c: {  	_ =	sdelay $0x2  }
0x8d: {  	[tilespmem:s29+$0x0 ss:$0x81] =	vst.msk $0xffff, v1;
	s29 =	sadd.s32 $0x810, s29  }
.Ltmp11:
0x8e: {  	_ = 	snop;
	(pc) =	sbr.rel .LBB1_11-.Ltmp11, $1  }
0x8f: {  	_ =	sdelay $0x3  }
.LBB1_14:
0x90: {  	_ =	sfence.sel $0x180000  }
0x91: {  	s2 =	simm.s32 $0x1;
	[bflag:$0x0] =	sbarrier.arrive $0xFFFF  }
0x92: {  	s31 =	simm.s32 $0x2;
	[sflag:s2] =	ssyncpa.u1 $0x1  }
0x93: {  	[sflag:s31] =	ssyncpa.u1 $0x1  }
0x94: {  	p0 =	sne.s32 s1, $0x0;
	_ =	strace $0x90000047  }
0x95: {  	s0 =	sadd.s32 @!p0 $0x100000, s0;
	[bflag:$0x2] =	sbarrier.arrive $0xFFFF  }
0x96: {  	[sflag:s0] =	ssyncadd.tile.s32 @!p0 $0x1;
	_ =	shalt  }
.Lfunc_end1:
_tile_overlayer_lowered:
.L_overlay_start_2:
0x97: {  	(tag) =	ssettag $0x2  }
0x98: {  	s0 =	rddreg [dreg:$0x0];
	s2 =	stileid.u32  }
0x99: {  	s1 =	rddreg [dreg:$0x1];
	p0 =	sne.s32 s2, $0x0  }
0x9a: {  	s3 =	rddreg [dreg:$0x2];
	[bflag:$0x3] =	sbarrier.arrive $0xFFFF;
	s2 =	simm.s32 @!p0 $0x1C01  }
0x9b: {  	[timem:s3], [sflag:s2] =	dma.local @!p0 [hbm:s0], s1  }
0x9c: {  	s0 =	simm.s32 @!p0 $0x1  }
0x9d: {  	_ =	swait.ge @!p0 [sflag:s0], s1  }
0x9e: {  	s1 =	ssub.s32 @!p0 $0x0, s1;
	[sflag:s0] =	ssyncset.done @!p0 $0x0  }
0x9f: {  	[sflag:s0] =	ssyncadd.s32 @!p0 s1  }
0xa0: {  	[bflag:$0x3] =	sbarrier.arrive $0xFFFF  }
0xa1: {  	_ =	shalt  }

</sc_bundles>
